<compile_context>
chip_gen: v7x
topology: tpu7x:2x2x1
jax: 0.10.2.dev20260603
libtpu: 0.0.44.dev20260713+nightly
codegen_flags: <defaults>
</compile_context>

<pallas_src>
import functools

import jax
import jax.numpy as jnp
from jax import lax
from jax.experimental import pallas as pl
from jax.experimental.pallas import tpu as pltpu
from jax.experimental.pallas import tpu_sc as plsc


_NC, _NS = 2, 16
_NW = _NC * _NS



def _gather_x(emb, idx2, B, E):
    bpw = B // _NW
    mesh = plsc.VectorSubcoreMesh(core_axis_name="c", subcore_axis_name="s")

    @functools.partial(
        pl.kernel,
        mesh=mesh,
        out_type=jax.ShapeDtypeStruct((B, E), jnp.float32),
        scratch_types=[
            pltpu.VMEM((bpw,), jnp.int32),
            pltpu.VMEM((bpw, E), jnp.float32),
            pltpu.SemaphoreType.DMA,
        ],
    )
    def k(emb_hbm, idx_hbm, out_hbm, idx_v, rows_v, sem):
        wid = lax.axis_index("s") * _NC + lax.axis_index("c")
        pltpu.sync_copy(idx_hbm.at[wid], idx_v)
        pltpu.async_copy(emb_hbm.at[idx_v], rows_v, sem).wait()
        pltpu.sync_copy(rows_v, out_hbm.at[pl.ds(wid * bpw, bpw)])

    return k(emb, idx2)



def _cast_body(w_ref, o_ref):
    o_ref[...] = w_ref[...].astype(jnp.bfloat16)


def _cast_bf16(W):
    O, E = W.shape
    BO = 1024
    return pl.pallas_call(
        _cast_body,
        grid=(O // BO,),
        in_specs=[pl.BlockSpec((BO, E), lambda j: (j, 0))],
        out_specs=pl.BlockSpec((BO, E), lambda j: (j, 0)),
        out_shape=jax.ShapeDtypeStruct((O, E), jnp.bfloat16),
    )(W)


def _mm_body(w_ref, x_ref, b_ref, o_ref, xbf_ref):
    @pl.when(pl.program_id(0) == 0)
    def _():
        xbf_ref[...] = x_ref[...].astype(jnp.bfloat16)

    y = jax.lax.dot_general(
        w_ref[...], xbf_ref[...],
        dimension_numbers=(((1,), (1,)), ((), ())),
        preferred_element_type=jnp.float32,
    )
    y = y + b_ref[...]
    o_ref[...] = 0.5 * y * (1.0 + jnp.tanh(0.5 * y))


def _mm_silu_t(Wbf, x, b2):
    O, E = Wbf.shape
    B = x.shape[0]
    BO = 512
    return pl.pallas_call(
        _mm_body,
        grid=(O // BO,),
        in_specs=[
            pl.BlockSpec((BO, E), lambda j: (j, 0)),
            pl.BlockSpec((B, E), lambda j: (0, 0)),
            pl.BlockSpec((BO, 1), lambda j: (j, 0)),
        ],
        out_specs=pl.BlockSpec((BO, B), lambda j: (j, 0)),
        out_shape=jax.ShapeDtypeStruct((O, B), jnp.float32),
        scratch_shapes=[pltpu.VMEM((B, E), jnp.bfloat16)],
    )(Wbf, x, b2)



def kernel(label, emb_table, W, b):
    B = label.shape[0]
    E = emb_table.shape[1]
    O = W.shape[0]
    idx2 = jnp.reshape(label.astype(jnp.int32), (_NW, B // _NW))
    Wbf = _cast_bf16(W)
    Wbf, idx2 = jax.lax.optimization_barrier((Wbf, idx2))
    x = _gather_x(emb_table, idx2, B, E)
    outT = _mm_silu_t(Wbf, x, jnp.reshape(b, (O, 1)))
    return jnp.reshape(outT.T, (B, 1, 4, 32, 32))

# --- scband reference (transcript-rebuilt; emitter-appended) ---
"""Pipeline reference for scband-class-condition-53111565583039 (READ-ONLY COPY).

The authoritative reference and input builder live on the scoring server;
editing this copy changes nothing except your own understanding.
"""

import jax, jax.numpy as jnp
import numpy as np

NUM_CLASSES = 1000
EMB_DIM = 512
D, H, W_SP = 4, 32, 32
CLASS_CH = 1
BATCH = 4096
OUT_DIM = CLASS_CH * D * H * W_SP


def setup_inputs(seed: int = 0) -> dict:
    key = jax.random.key(seed)
    k1, k2, k3, k4 = jax.random.split(key, 4)
    label = jax.random.randint(k1, (BATCH,), 0, NUM_CLASSES, dtype=jnp.int64 if jax.config.jax_enable_x64 else jnp.int32).astype(jnp.int32)
    emb_table = jax.random.normal(k2, (NUM_CLASSES, EMB_DIM), dtype=jnp.float32)
    # nn.Linear(class_emb_dim, out): weight [out, in], bias [out]
    bound = 1.0 / np.sqrt(EMB_DIM)
    W = jax.random.uniform(k3, (OUT_DIM, EMB_DIM), dtype=jnp.float32, minval=-bound, maxval=bound)
    b = jax.random.uniform(k4, (OUT_DIM,), dtype=jnp.float32, minval=-bound, maxval=bound)
    return {"label": label, "emb_table": emb_table, "W": W, "b": b}


def reference(label, emb_table, W, b):
    # x = self.class_embed(label)
    x = jnp.take(emb_table, label, axis=0)
    # x = Linear(x) ; SiLU
    y = x @ W.T + b
    y = y * jax.nn.sigmoid(y)
    # reshape to (B, class_ch, d, h, w)
    return jnp.reshape(y, (x.shape[0], CLASS_CH, D, H, W_SP))

if __name__ == "__main__":
    import jax
    _d = setup_inputs()
    print(jax.jit(kernel)(*tuple(_d.values())))

</pallas_src>

<mosaic_0001>
#map = affine_map<(d0, d1) -> (0, 0)>
module attributes {stable_mosaic.version = 14 : i64} {
  func.func @k(%arg0: i32, %arg1: i32, %arg2: memref<1000x512xf32, #tpu.memory_space<hbm>>, %arg3: memref<32x128xi32, #tpu.memory_space<hbm>>, %arg4: memref<4096x512xf32, #tpu.memory_space<hbm>>, %arg5: memref<128xi32, #tpu.memory_space<vmem>>, %arg6: memref<128x512xf32, #tpu.memory_space<vmem>>, %arg7: memref<!tpu.dma_semaphore, #tpu.memory_space<semaphore_mem>>) attributes {dimension_semantics = [#tpu.dimension_semantics<core_parallel>, #tpu.dimension_semantics<subcore_parallel>], iteration_bounds = array<i64: 2, 16>, scalar_prefetch = 0 : i64, scratch_operands = 3 : i64, tpu.core_type = #tpu.core_type<sc_vector_subcore>, window_params = [{transform_indices = #map}, {transform_indices = #map}, {transform_indices = #map}]} {
    %mul3A = arith.constant 2 : i32
    %mul3A_0 = arith.muli %arg1, %mul3A : i32
    %add3A = arith.addi %mul3A_0, %arg0 : i32
    "tpu.region"() ({
      %run_scoped3A = tpu.sem_alloc : memref<!tpu.dma_semaphore, #tpu.memory_space<semaphore_mem>>
      %dma_start3A_7 = arith.constant 0 : i32
      %dma_start3A_8 = tpu.memref_slice %arg3[%add3A, %dma_start3A_7] : memref<32x128xi32, #tpu.memory_space<hbm>> -> memref<1x128xi32, #tpu.memory_space<hbm>>
      %dma_start3A_9 = tpu.memref_squeeze %dma_start3A_8 : memref<1x128xi32, #tpu.memory_space<hbm>> -> memref<128xi32, #tpu.memory_space<hbm>>
      %dma_start3A_10 = arith.constant 0 : i32
      %dma_start3A_11 = tpu.memref_slice %arg3[%add3A, %dma_start3A_10] : memref<32x128xi32, #tpu.memory_space<hbm>> -> memref<1x128xi32, #tpu.memory_space<hbm>>
      %dma_start3A_12 = tpu.memref_squeeze %dma_start3A_11 : memref<1x128xi32, #tpu.memory_space<hbm>> -> memref<128xi32, #tpu.memory_space<hbm>>
      tpu.enqueue_dma source(%dma_start3A_12 : memref<128xi32, #tpu.memory_space<hbm>>) target(%arg5 : memref<128xi32, #tpu.memory_space<vmem>>) target_semaphore(%run_scoped3A : memref<!tpu.dma_semaphore, #tpu.memory_space<semaphore_mem>>)
      %dma_wait3A_13 = arith.constant 0 : i32
      %dma_wait3A_14 = tpu.memref_slice %arg3[%add3A, %dma_wait3A_13] : memref<32x128xi32, #tpu.memory_space<hbm>> -> memref<1x128xi32, #tpu.memory_space<hbm>>
      %dma_wait3A_15 = tpu.memref_squeeze %dma_wait3A_14 : memref<1x128xi32, #tpu.memory_space<hbm>> -> memref<128xi32, #tpu.memory_space<hbm>>
      %dma_wait3A_16 = arith.constant 0 : i32
      %dma_wait3A_17 = tpu.memref_slice %arg3[%add3A, %dma_wait3A_16] : memref<32x128xi32, #tpu.memory_space<hbm>> -> memref<1x128xi32, #tpu.memory_space<hbm>>
      %dma_wait3A_18 = tpu.memref_squeeze %dma_wait3A_17 : memref<1x128xi32, #tpu.memory_space<hbm>> -> memref<128xi32, #tpu.memory_space<hbm>>
      tpu.wait_dma2 semaphore(%run_scoped3A : memref<!tpu.dma_semaphore, #tpu.memory_space<semaphore_mem>>) src(%dma_wait3A_18 : memref<128xi32, #tpu.memory_space<hbm>>) dst(%arg5 : memref<128xi32, #tpu.memory_space<vmem>>)
      tpu.yield
    }) : () -> ()
    %dma_start3A = arith.constant 0 : i32
    %dma_start3A_1 = arith.constant 0 : i32
    %dma_start3A_2 = tpu.memref_slice %arg2[%dma_start3A, %dma_start3A_1] : memref<1000x512xf32, #tpu.memory_space<hbm>> -> memref<1000x512xf32, #tpu.memory_space<hbm>>
    tpu.enqueue_indirect_dma source(%dma_start3A_2 : memref<1000x512xf32, #tpu.memory_space<hbm>>) target(%arg6 : memref<128x512xf32, #tpu.memory_space<vmem>>) offsets(%arg5 : memref<128xi32, #tpu.memory_space<vmem>>) semaphore(%arg7 : memref<!tpu.dma_semaphore, #tpu.memory_space<semaphore_mem>>)
    %dma_wait3A = arith.constant 0 : i32
    %dma_wait3A_3 = arith.constant 0 : i32
    %dma_wait3A_4 = tpu.memref_slice %arg2[%dma_wait3A, %dma_wait3A_3] : memref<1000x512xf32, #tpu.memory_space<hbm>> -> memref<1000x512xf32, #tpu.memory_space<hbm>>
    tpu.wait_indirect_dma semaphore(%arg7 : memref<!tpu.dma_semaphore, #tpu.memory_space<semaphore_mem>>) src(%dma_wait3A_4 : memref<1000x512xf32, #tpu.memory_space<hbm>>) dst(%arg6 : memref<128x512xf32, #tpu.memory_space<vmem>>)
    %mul3A_5 = arith.constant 128 : i32
    %mul3A_6 = arith.muli %add3A, %mul3A_5 : i32
    "tpu.region"() ({
      %run_scoped3A = tpu.sem_alloc : memref<!tpu.dma_semaphore, #tpu.memory_space<semaphore_mem>>
      %dma_start3A_7 = arith.constant 0 : i32
      %dma_start3A_8 = tpu.memref_slice %arg4[%mul3A_6, %dma_start3A_7] : memref<4096x512xf32, #tpu.memory_space<hbm>> -> memref<128x512xf32, #tpu.memory_space<hbm>>
      %dma_start3A_9 = arith.constant 0 : i32
      %dma_start3A_10 = tpu.memref_slice %arg4[%mul3A_6, %dma_start3A_9] : memref<4096x512xf32, #tpu.memory_space<hbm>> -> memref<128x512xf32, #tpu.memory_space<hbm>>
      tpu.enqueue_dma source(%arg6 : memref<128x512xf32, #tpu.memory_space<vmem>>) target(%dma_start3A_10 : memref<128x512xf32, #tpu.memory_space<hbm>>) target_semaphore(%run_scoped3A : memref<!tpu.dma_semaphore, #tpu.memory_space<semaphore_mem>>)
      %dma_wait3A_11 = arith.constant 0 : i32
      %dma_wait3A_12 = tpu.memref_slice %arg4[%mul3A_6, %dma_wait3A_11] : memref<4096x512xf32, #tpu.memory_space<hbm>> -> memref<128x512xf32, #tpu.memory_space<hbm>>
      %dma_wait3A_13 = arith.constant 0 : i32
      %dma_wait3A_14 = tpu.memref_slice %arg4[%mul3A_6, %dma_wait3A_13] : memref<4096x512xf32, #tpu.memory_space<hbm>> -> memref<128x512xf32, #tpu.memory_space<hbm>>
      tpu.wait_dma2 semaphore(%run_scoped3A : memref<!tpu.dma_semaphore, #tpu.memory_space<semaphore_mem>>) src(%arg6 : memref<128x512xf32, #tpu.memory_space<vmem>>) dst(%dma_wait3A_14 : memref<128x512xf32, #tpu.memory_space<hbm>>)
      tpu.yield
    }) : () -> ()
    return
  }
}

module attributes {stable_mosaic.version = 14 : i64} {
  func.func @_cast_body(%arg0: i32, %arg1: memref<1024x512xf32, #tpu.memory_space<vmem>>, %arg2: memref<1024x512xbf16, #tpu.memory_space<vmem>>) attributes {dimension_semantics = [#tpu.dimension_semantics<arbitrary>], iteration_bounds = array<i64: 4>, scalar_prefetch = 0 : i64, scratch_operands = 0 : i64, tpu.core_type = #tpu.core_type<tc>, window_params = [{transform_indices = @transform_0, window_bounds = array<i64: 1024, 512>}, {transform_indices = @transform_1, window_bounds = array<i64: 1024, 512>}]} {
    %get3A = arith.constant 0 : index
    %get3A_0 = arith.constant 0 : index
    %get3A_1 = vector.load %arg1[%get3A, %get3A_0] : memref<1024x512xf32, #tpu.memory_space<vmem>>, vector<1024x512xf32>
    %convert_element_type3A = arith.truncf %get3A_1 : vector<1024x512xf32> to vector<1024x512xbf16>
    %swap3A = arith.constant 0 : index
    %swap3A_2 = arith.constant 0 : index
    %swap3A_3 = vector.load %arg2[%swap3A, %swap3A_2] : memref<1024x512xbf16, #tpu.memory_space<vmem>>, vector<1024x512xbf16>
    tpu.vector_store %arg2[%swap3A, %swap3A_2], %convert_element_type3A {strides = array<i32>} : memref<1024x512xbf16, #tpu.memory_space<vmem>>, vector<1024x512xbf16>,
    return
  }
  func.func @transform_0(%arg0: i32) -> (i32, i32) {
    %c0_i32 = arith.constant 0 : i32
    %c0_i32_0 = arith.constant 0 : i32
    return %arg0, %c0_i32 : i32, i32
  }
  func.func @transform_1(%arg0: i32) -> (i32, i32) {
    %c0_i32 = arith.constant 0 : i32
    %c0_i32_0 = arith.constant 0 : i32
    return %arg0, %c0_i32 : i32, i32
  }
}

module attributes {stable_mosaic.version = 14 : i64} {
  func.func @_mm_body(%arg0: i32, %arg1: memref<512x512xbf16, #tpu.memory_space<vmem>>, %arg2: memref<4096x512xf32, #tpu.memory_space<vmem>>, %arg3: memref<512x1xf32, #tpu.memory_space<vmem>>, %arg4: memref<512x4096xf32, #tpu.memory_space<vmem>>, %arg5: memref<4096x512xbf16, #tpu.memory_space<vmem>>) attributes {dimension_semantics = [#tpu.dimension_semantics<arbitrary>], iteration_bounds = array<i64: 8>, scalar_prefetch = 0 : i64, scratch_operands = 1 : i64, tpu.core_type = #tpu.core_type<tc>, window_params = [{transform_indices = @transform_0, window_bounds = array<i64: 512, 512>}, {pipeline_mode = #tpu.pipeline_mode<synchronous>, transform_indices = @transform_1, window_bounds = array<i64: 4096, 512>}, {transform_indices = @transform_2, window_bounds = array<i64: 512, 1>}, {transform_indices = @transform_3, window_bounds = array<i64: 512, 4096>}]} {
    %eq3A = arith.constant 0 : i32
    %eq3A_0 = arith.cmpi eq, %arg0, %eq3A : i32
    %convert_element_type3A = arith.extui %eq3A_0 : i1 to i32
    %cond3A = arith.constant 0 : i32
    %cond3A_1 = arith.cmpi ne, %convert_element_type3A, %cond3A : i32
    scf.if %cond3A_1 {
      %get3A_23 = arith.constant 0 : index
      %get3A_24 = arith.constant 0 : index
      %get3A_25 = vector.load %arg2[%get3A_23, %get3A_24] : memref<4096x512xf32, #tpu.memory_space<vmem>>, vector<4096x512xf32>
      %convert_element_type3A_26 = arith.truncf %get3A_25 : vector<4096x512xf32> to vector<4096x512xbf16>
      %swap3A_27 = arith.constant 0 : index
      %swap3A_28 = arith.constant 0 : index
      %swap3A_29 = vector.load %arg5[%swap3A_27, %swap3A_28] : memref<4096x512xbf16, #tpu.memory_space<vmem>>, vector<4096x512xbf16>
      tpu.vector_store %arg5[%swap3A_27, %swap3A_28], %convert_element_type3A_26 {strides = array<i32>} : memref<4096x512xbf16, #tpu.memory_space<vmem>>, vector<4096x512xbf16>,
    } else {
    }
    %get3A = arith.constant 0 : index
    %get3A_2 = arith.constant 0 : index
    %get3A_3 = vector.load %arg1[%get3A, %get3A_2] : memref<512x512xbf16, #tpu.memory_space<vmem>>, vector<512x512xbf16>
    %get3A_4 = arith.constant 0 : index
    %get3A_5 = arith.constant 0 : index
    %get3A_6 = vector.load %arg5[%get3A_4, %get3A_5] : memref<4096x512xbf16, #tpu.memory_space<vmem>>, vector<4096x512xbf16>
    %dot_general3A = arith.constant dense<0.000000e+00> : vector<512x4096xf32>
    %dot_general3A_7 = tpu.matmul %get3A_3, %get3A_6, %dot_general3A {dimension_numbers = #tpu.dot_dimension_numbers<[1], [1], [0], [0], [0, 0, 1, 0], [], []>, transpose_lhs_hint = false} : vector<512x512xbf16>, vector<4096x512xbf16>, vector<512x4096xf32> -> vector<512x4096xf32>
    %get3A_8 = arith.constant 0 : index
    %get3A_9 = arith.constant 0 : index
    %get3A_10 = vector.load %arg3[%get3A_8, %get3A_9] : memref<512x1xf32, #tpu.memory_space<vmem>>, vector<512x1xf32>
    %add3A = vector.broadcast %get3A_10 : vector<512x1xf32> to vector<512x4096xf32>
    %add3A_11 = arith.addf %dot_general3A_7, %add3A : vector<512x4096xf32>
    %mul3A = arith.constant 5.000000e-01 : f32
    %mul3A_12 = vector.broadcast %mul3A : f32 to vector<512x4096xf32>
    %mul3A_13 = arith.mulf %mul3A_12, %add3A_11 : vector<512x4096xf32>
    %mul3A_14 = arith.constant 5.000000e-01 : f32
    %mul3A_15 = vector.broadcast %mul3A_14 : f32 to vector<512x4096xf32>
    %mul3A_16 = arith.mulf %mul3A_15, %add3A_11 : vector<512x4096xf32>
    %tanh3A = math.tanh %mul3A_16 : vector<512x4096xf32>
    %add3A_17 = arith.constant 1.000000e+00 : f32
    %add3A_18 = vector.broadcast %add3A_17 : f32 to vector<512x4096xf32>
    %add3A_19 = arith.addf %add3A_18, %tanh3A : vector<512x4096xf32>
    %mul3A_20 = arith.mulf %mul3A_13, %add3A_19 : vector<512x4096xf32>
    %swap3A = arith.constant 0 : index
    %swap3A_21 = arith.constant 0 : index
    %swap3A_22 = vector.load %arg4[%swap3A, %swap3A_21] : memref<512x4096xf32, #tpu.memory_space<vmem>>, vector<512x4096xf32>
    tpu.vector_store %arg4[%swap3A, %swap3A_21], %mul3A_20 {strides = array<i32>} : memref<512x4096xf32, #tpu.memory_space<vmem>>, vector<512x4096xf32>,
    return
  }
  func.func @transform_0(%arg0: i32) -> (i32, i32) {
    %c0_i32 = arith.constant 0 : i32
    %c0_i32_0 = arith.constant 0 : i32
    return %arg0, %c0_i32 : i32, i32
  }
  func.func @transform_1(%arg0: i32) -> (i32, i32) {
    %c0_i32 = arith.constant 0 : i32
    %c0_i32_0 = arith.constant 0 : i32
    %c0_i32_1 = arith.constant 0 : i32
    return %c0_i32, %c0_i32_0 : i32, i32
  }
  func.func @transform_2(%arg0: i32) -> (i32, i32) {
    %c0_i32 = arith.constant 0 : i32
    %c0_i32_0 = arith.constant 0 : i32
    return %arg0, %c0_i32 : i32, i32
  }
  func.func @transform_3(%arg0: i32) -> (i32, i32) {
    %c0_i32 = arith.constant 0 : i32
    %c0_i32_0 = arith.constant 0 : i32
    return %arg0, %c0_i32 : i32, i32
  }
}

</mosaic_0001>

<sc_bundles>
// kernel: kernel.5.cloned.1.call-start
scs
__scs_entry_jumppad:
0x0: {  	(pc) =	sbr.rel $0x88, $3  }
0x1: {  	(tag) =	ssettag $0x0;
	lr =	simm.s32 $0x1  }
0x2: {  	[smem:$0x3F9D] =	sst lr;
	_ =	strace $0xD0000000  }
0x3: {  	_ = 	snop  }
0x4: {  	_ = 	snop  }
0x5: {  	_ = 	snop  }
0x6: {  	_ = 	snop  }
0x7: {  	_ = 	snop  }
__scs_overlays_trampoline_lowered:
0x8: {  	[smem:$0x3FAC] =	sst s0  }
0x9: {  	[smem:$0x3FAD] =	sst s1  }
0xa: {  	[smem:$0x3FAE] =	sst s2  }
0xb: {  	[smem:$0x3FAF] =	sst s3  }
0xc: {  	[smem:$0x3FB0] =	sst s4  }
0xd: {  	[smem:$0x3FB1] =	sst s5  }
0xe: {  	[smem:$0x3FB2] =	sst s6  }
0xf: {  	[smem:$0x3FB3] =	sst s7  }
0x10: {  	[smem:$0x3FB4] =	sst s8  }
0x11: {  	[smem:$0x3FB5] =	sst s9;
	s0 =	simm.s32 @!p0 $0x0  }
0x12: {  	s1 =	sld [smem:$0x3F9B];
	s0 =	simm.s32 @p0 $0x1  }
0x13: {  	[smem:$0x3FB6] =	sst s0;
	s0 =	simm.s32 @!p1 $0x0  }
0x14: {  	s2 =	sld [smem:$0x3F9A];
	s0 =	simm.s32 @p1 $0x1  }
0x15: {  	[smem:$0x3FB7] =	sst s0;
	s0 =	simm.s32 @!p2 $0x0  }
0x16: {  	s3 =	sld [smem:$0x3FDB];
	s0 =	simm.s32 @p2 $0x1  }
0x17: {  	s4 =	simm.s32 $0x1BF5;
	[smem:$0x3FB9] =	sst s0  }
0x18: {  	s0 =	sld [smem:$0x3F9C];
	_ =	swait.ge [sflag:s4], $0x0  }
0x19: {  	s7 =	sld [smem:$0x3F9D]  }
0x1a: {  	s8 =	sadd.s32 $0xFFFFE003, lr  }
0x1b: {  	s9 =	sadd.s32 $0xFFFFFEF7, lr;
	s5 =	simm.s32 $0xFFFFFFFF;
	p2 =	slt.u32 s8, $0xFFFFF086  }
0x1c: {  	p1 =	slt.u32 s9, $0xF7A;
	s5 =	simm.s32 @!p2 $0x0  }
0x1d: {  	s5 =	simm.s32 @p1 $0x1;
	p0 =	seq.s32 s7, s2  }
0x1e: {  	s7 =	smul.u32 @!p0 $0xF7A, s2;
	p2 =	seq.s32 @!p0 s5, $0x0  }
0x1f: {  	s9 =	smul.u32 $0xF7A, s1;
	s8 =	simm.s32 @!p0 $0x1BF5;
	p2 =	por !p2, p0  }
0x20: {  	[sflag:s8] =	ssyncset.s32 @!p0 $0xFFFFF086;
	s6 =	sadd.s32 @!p0 s3, s7;
	s7 =	simm.s32 @!p0 $0x108  }
0x21: {  	s3 =	sadd.s32 s3, s9;
	s6 =	sadd.s32 @!p0 $0x88, s6;
	s7 =	simm.s32 @p2 $0x1082  }
0x22: {  	[simem:s7], [sflag:s8] =	dma.local @!p0 [hbm:s6], $0xF7A  }
0x23: {  	s9 =	sor.u32 $0xD0000000, s2;
	s6 =	simm.s32 $0x108;
	_ =	swait.ge @!p0 [sflag:s8], $0x0  }
0x24: {  	s3 =	sadd.s32 $0x88, s3;
	s6 =	simm.s32 @!p1 $0x1082;
	[sflag:s4] =	ssyncset.s32 $0xFFFFF086  }
0x25: {  	[simem:s6], [sflag:s4] =	dma.local [hbm:s3], $0xF7A  }
0x26: {  	[smem:$0x3F9D] =	sst s1;
	(tag) =	ssettag s2;
	_ =	strace s9  }
0x27: {  	s1 =	sld [smem:$0x3FAD]  }
0x28: {  	s2 =	sld [smem:$0x3FAE]  }
0x29: {  	s4 =	sld [smem:$0x3FB0]  }
0x2a: {  	p0 =	seq.s32 s5, $0x0;
	s5 =	sld [smem:$0x3FB1]  }
0x2b: {  	s6 =	sld [smem:$0x3FB2]  }
0x2c: {  	s7 =	sld [smem:$0x3FB3]  }
0x2d: {  	s3 =	simm.s32 $0x108;
	s8 =	sld [smem:$0x3FB4]  }
0x2e: {  	s3 =	simm.s32 @!p0 $0x1082;
	s9 =	sld [smem:$0x3FB5]  }
0x2f: {  	lr =	sadd.s32 s0, s3;
	s0 =	sld [smem:$0x3FAC]  }
0x30: {  	s3 =	sld [smem:$0x3FAF]  }
0x31: {  	[smem:$0x3FB8] =	sst s10  }
0x32: {  	s10 =	sld [smem:$0x3FB6];
	_ =	sdelay $0x3  }
0x33: {  	p0 =	seq.s32 s10, $0x1;
	s10 =	sld [smem:$0x3FB8];
	_ =	sdelay $0x3  }
0x34: {  	[smem:$0x3FB8] =	sst s10  }
0x35: {  	s10 =	sld [smem:$0x3FB7];
	_ =	sdelay $0x3  }
0x36: {  	p1 =	seq.s32 s10, $0x1;
	s10 =	sld [smem:$0x3FB8];
	_ =	sdelay $0x3  }
0x37: {  	[smem:$0x3FB8] =	sst s10  }
0x38: {  	s10 =	sld [smem:$0x3FB9]  }
0x39: {  	_ = 	snop;
	(pc) =	sbr.ind lr, $3  }
0x3a: {  	_ = 	snop  }
0x3b: {  	_ = 	snop  }
0x3c: {  	p2 =	seq.s32 s10, $0x1;
	s10 =	sld [smem:$0x3FB8]  }
0x3d: {  	_ =	shalt  }
0x3e: {  	_ =	shalt  }
0x3f: {  	_ =	shalt  }
0x40: {  	_ =	shalt  }
0x41: {  	_ =	shalt  }
0x42: {  	_ =	shalt  }
0x43: {  	_ =	shalt  }
0x44: {  	_ =	shalt  }
0x45: {  	_ =	shalt  }
0x46: {  	_ =	shalt  }
0x47: {  	_ =	shalt  }
0x48: {  	_ =	shalt  }
0x49: {  	_ =	shalt  }
0x4a: {  	_ =	shalt  }
0x4b: {  	_ =	shalt  }
0x4c: {  	_ =	shalt  }
0x4d: {  	_ =	shalt  }
0x4e: {  	_ =	shalt  }
0x4f: {  	_ =	shalt  }
0x50: {  	_ =	shalt  }
0x51: {  	_ =	shalt  }
0x52: {  	_ =	shalt  }
0x53: {  	_ =	shalt  }
0x54: {  	_ =	shalt  }
0x55: {  	_ =	shalt  }
0x56: {  	_ =	shalt  }
0x57: {  	_ =	shalt  }
0x58: {  	_ =	shalt  }
0x59: {  	_ =	shalt  }
0x5a: {  	_ =	shalt  }
0x5b: {  	_ =	shalt  }
0x5c: {  	_ =	shalt  }
0x5d: {  	_ =	shalt  }
0x5e: {  	_ =	shalt  }
0x5f: {  	_ =	shalt  }
0x60: {  	_ =	shalt  }
0x61: {  	_ =	shalt  }
0x62: {  	_ =	shalt  }
0x63: {  	_ =	shalt  }
0x64: {  	_ =	shalt  }
0x65: {  	_ =	shalt  }
0x66: {  	_ =	shalt  }
0x67: {  	_ =	shalt  }
0x68: {  	_ =	shalt  }
0x69: {  	_ =	shalt  }
0x6a: {  	_ =	shalt  }
0x6b: {  	_ =	shalt  }
0x6c: {  	_ =	shalt  }
0x6d: {  	_ =	shalt  }
0x6e: {  	_ =	shalt  }
0x6f: {  	_ =	shalt  }
0x70: {  	_ =	shalt  }
0x71: {  	_ =	shalt  }
0x72: {  	_ =	shalt  }
0x73: {  	_ =	shalt  }
0x74: {  	_ =	shalt  }
0x75: {  	_ =	shalt  }
0x76: {  	_ =	shalt  }
0x77: {  	_ =	shalt  }
0x78: {  	_ =	shalt  }
0x79: {  	_ =	shalt  }
0x7a: {  	_ =	shalt  }
0x7b: {  	_ =	shalt  }
0x7c: {  	_ =	shalt  }
0x7d: {  	_ =	shalt  }
0x7e: {  	_ =	shalt  }
0x7f: {  	_ =	shalt  }
0x80: {  	_ =	shalt  }
0x81: {  	_ =	shalt  }
0x82: {  	_ =	shalt  }
0x83: {  	_ =	shalt  }
0x84: {  	_ =	shalt  }
0x85: {  	_ =	shalt  }
0x86: {  	_ =	shalt  }
0x87: {  	_ =	shalt  }
.Lfunc_end0:
.L_simem_size_0:
called_computation_lowered:
.L_overlay_start_0:
0x88: {  	s2 =	sld [smem:$0x3FD9]  }
0x89: {  	s3 =	sld [smem:$0x3FFE];
	_ =	sdelay $0x1  }
0x8a: {  	s1 =	srdreg.scid  }
0x8b: {  	s0 =	sand.u32 $0x1, s1  }
0x8c: {  	s18 =	sshll.u32 s0, $0xA;
	s2 =	sadd.s32 s3, s2  }
0x8d: {  	s2 =	sadd.s32 s2, s18  }
0x8e: {  	[smem:$0x3FC4] =	sst s2  }
0x8f: {  	_ = 	snop  }
0x90: {  	s2 =	sld [smem:$0x3FC9]  }
0x91: {  	s19 =	sld [smem:$0x3FC8]  }
0x92: {  	s4 =	sld [smem:$0x3FD0];
	(tm) =	ssettm $0x1  }
0x93: {  	s5 =	sld [smem:$0x3FFB];
	_ =	sdelay $0x3  }
0x94: {  	_ =	strace s5  }
0x95: {  	s5 =	sld [smem:$0x3FFC];
	_ =	sdelay $0x3  }
0x96: {  	_ =	strace s5  }
0x97: {  	s5 =	sld [smem:$0x3FFD];
	_ =	sdelay $0x3  }
0x98: {  	_ =	strace s5  }
0x99: {  	_ =	strace $0x8FFFFFFF  }
0x9a: {  	s20 =	sld [smem:$0x3FDB];
	_ =	sdelay $0x1  }
0x9b: {  	s6 =	simm.s32 $_scs_section_size  }
0x9c: {  	s7 =	simm.s32 $_size__tile_overlayer_lowered;
	s8 =	simm.s32 $_tile_overlayer_lowered  }
0x9d: {  	s23 =	simm.s32 $0x1BFF;
	s22 =	sshll.u32 s8, $0x1;
	s5 =	sadd.s32 s6, s20  }
0x9e: {  	s9 =	simm.s32 $0x0;
	s21 =	sshll.u32 s7, $0x1;
	s7 =	sadd.s32 s22, s5  }
0x9f: {  	[timem:s9], [sflag:s23] =	dma.local [hbm:s7], s21  }
0xa0: {  	_ =	swait.ge [sflag:s23], s21  }
0xa1: {  	s6 =	ssub.s32 $0x0, s21;
	[sflag:s23] =	ssyncset.done $0x0  }
0xa2: {  	[sflag:s23] =	ssyncadd.s32 s6;
	_ =	sdelay $0x1  }
0xa3: {  	s24 =	simm.s32 $0x1B8B  }
0xa4: {  	_ =	swait.ge [sflag:s24], $0x1  }
0xa5: {  	[sflag:s24] =	ssyncset.done $0x0  }
0xa6: {  	s25 =	simm.s32 $0x1B8E;
	[sflag:s24] =	ssyncadd.s32 $0xFFFFFFFF  }
0xa7: {  	s26 =	simm.s32 $execute0_lowered;
	[smem:$0x3FD2] =	sst s25  }
0xa8: {  	s6 =	sshll.u32 s26, $0x1;
	_ =	strace $0x80000046;
	[dreg:$0x1] =	wrdreg $0xFFFFFFFF  }
0xa9: {  	s28 =	simm.s32 $_size_execute0_lowered;
	s5 =	sadd.s32 s5, s6;
	[dreg:$0x0] =	wrdreg $0x0  }
0xaa: {  	s6 =	sshll.u32 s28, $0x1;
	[dreg:$0x2] =	wrdreg s5  }
0xab: {  	[dreg:$0x3] =	wrdreg s6  }
0xac: {  	[dreg:$0x4] =	wrdreg $0xC0  }
0xad: {  	_ =	task [dreg:s9], $0x5FFFF  }
0xae: {  	[dreg:$0x1] =	wrdreg $0xFFFFFFFF  }
0xaf: {  	[dreg:$0x0] =	wrdreg $0x60  }
0xb0: {  	[dreg:$0x2] =	wrdreg s19  }
0xb1: {  	[dreg:$0x3] =	wrdreg s2  }
0xb2: {  	[dreg:$0x4] =	wrdreg s4  }
0xb3: {  	[dreg:$0x5] =	wrdreg $0x9  }
0xb4: {  	_ =	task.clear_ibuf [dreg:s9], $0x6FFFF;
	_ =	strace $0x90000046  }
0xb5: {  	s29 =	simm.s32 $0x9;
	_ =	strace $0x80000048  }
0xb6: {  	_ =	swait.ge [sflag:s29], $0x1  }
0xb7: {  	[sflag:s29] =	ssyncadd.s32 $0xFFFFFFFF  }
0xb8: {  	_ =	strace $0x90000048  }
0xb9: {  	_ =	sfence  }
0xba: {  	s30 =	sld [smem:$0x0];
	_ =	sdelay $0x2  }
0xbb: {  	s31 =	sshll.u32 s1, $0xD;
	s1 =	sshrl.u32 s1, $0x2  }
0xbc: {  	s3 =	sand.u32 $0x4000, s31;
	s1 =	sadd.s32 s1, s30  }
0xbd: {  	s0 =	sor.u32 s3, s0;
	s1 =	sshll.u32 s1, $0x11  }
0xbe: {  	s0 =	sor.u32 s1, s0  }
0xbf: {  	s0 =	sadd.s32 $0x8F2B, s0  }
0xc0: {  	[sflag:s0] =	ssyncadd.remote.s32 $0x1  }
0xc1: {  	_ =	sfence.sel $0xFFFF  }
0xc2: {  	[dreg:$0x0] =	wrdreg $0xFFFFFFFF;
	(pc) =	sbr.abs _section_cstart, $3  }
0xc3: {  	[dreg:$0x1] =	wrdreg $0xFFFFFFFF  }
0xc4: {  	_ =	task.clear_ibuf [dreg:s9], $0x2FFFF;
	_ =	strace $0x9FFFFFFF  }
0xc5: {  	(tm) =	ssettm $0x7FFFFFFF  }
tec
execute0_lowered:
.L_overlay_start_1:
0x0: {  	(tag) =	ssettag $0x1  }
0x1: {  	s1 =	rddreg [dreg:$0x0]  }
0x2: {  	s2 =	rddreg [dreg:$0x1];
	s3 =	srdreg.scid  }
0x3: {  	s0 =	stileid.u32;
	s4 =	rddreg [dreg:$0x2];
	s18 =	simm.s32 $0x880  }
0x4: {  	s19 =	simm.s32 $0x1080;
	s20 =	simm.s32 $0x1880;
	s22 =	simm.s32 $0x2080  }
0x5: {  	s23 =	simm.s32 $0x2880;
	s24 =	simm.s32 $0x3080;
	s25 =	simm.s32 $0x3880  }
0x6: {  	s26 =	simm.s32 $0x4080;
	s9 =	simm.s32 $0x5080;
	s10 =	simm.s32 $0x5880  }
0x7: {  	s11 =	simm.s32 $0x6080;
	s5 =	sand.u32 $0x1, s3;
	s3 =	simm.s32 $0x0  }
0x8: {  	s12 =	simm.s32 $0x6880;
	s13 =	simm.s32 $0x7080;
	[smem:$0x7FF] =	sst s3  }
0x9: {  	s14 =	simm.s32 $0x7880;
	_ =	strace $0x80000047;
	[dreg:$0x6] =	wrdreg s18  }
0xa: {  	s15 =	simm.s32 $0x8080;
	s16 =	simm.s32 $0x8880;
	[dreg:$0x7] =	wrdreg s19  }
0xb: {  	s28 =	simm.s32 $0xE080;
	s29 =	simm.s32 $0xE880;
	[dreg:$0x8] =	wrdreg s20  }
0xc: {  	s30 =	simm.s32 $0xF080;
	s6 =	sshll.u32 s0, $0x1;
	[dreg:$0x9] =	wrdreg s22  }
0xd: {  	s31 =	simm.s32 $0xF880;
	s6 =	sor.u32 s5, s6;
	[dreg:$0xa] =	wrdreg s23  }
0xe: {  	s21 =	ssub.s32 $0x2, s5;
	s7 =	sshll.u32 s6, $0x4;
	[dreg:$0xb] =	wrdreg s24  }
0xf: {  	s6 =	sshll.u32 s6, $0xD;
	s5 =	sshrl.u32 s21, $0x1;
	[dreg:$0xc] =	wrdreg s25  }
0x10: {  	[dreg:$0xd] =	wrdreg s26;
	s18 =	simm.s32 $0x9880;
	s19 =	simm.s32 $0xA080  }
0x11: {  	s20 =	simm.s32 $0xA880;
	s22 =	simm.s32 $0xB880;
	s23 =	simm.s32 $0xC080  }
0x12: {  	s24 =	simm.s32 $0xC880;
	s25 =	simm.s32 $0xD080;
	s26 =	simm.s32 $0xD880  }
0x13: {  	s2 =	sadd.s32 s2, s7;
	s17 =	sadd.s32 s4, s6;
	s5 =	ssub.s32 s21, s5  }
0x14: {  	v2 =	vlaneseq.u32;
	s4 =	sadd.s32 $0x100, s1;
	s6 =	simm.s32 $0x2;
	[dreg:$0x4] =	wrdreg s2  }
0x15: {  	vm0 =	vmmov $0xffff;
	v1 =	vshrl.u32 v2, $0x3;
	s7 =	simm.s32 $0x80;
	s21 =	simm.s32 $0xB080;
	[dreg:$0x5] =	wrdreg s17  }
0x16: {  	v0 =	vand.u32 $0x7, v2;
	v2 =	vor.u32 $0x8, v2;
	v1 =	vmul.u32 $0x8, v1;
	s5 =	smax.u32 s5, $0x1;
	s17 =	simm.s32 $0x9080;
	s2 =	simm.s32 $0x1  }
.LBB2_1:
0x17: {  	s0 =	rddreg [dreg:$0x4]  }
0x18: {  	[tilespmem:s3], [sflag:$0x2] =	stream.linear.gather [hbm4b:s0+s3], $0x80, $0x38;
	[tilespmem:$0x10080] =	vst v63  }
0x19: {  	_ =	swait.ge [sflag:s6], $0x80  }
0x1a: {  	[sflag:s6] =	ssyncset.done $0x0  }
0x1b: {  	[sflag:s6] =	ssyncadd.s32 $0xFFFFFF80  }
0x1c: {  	v3 =	vld [tilespmem:$0x0];
	_ =	sdelay $0x4  }
0x1d: {  	v4 =	vshll.u32 v3, $0x2  }
0x1e: {  	v3 =	vand.u32 $0x7, v3;
	v4 =	vand.u32 $0xFFFFFFE0, v4  }
0x1f: {  	v3 =	vor.u32 v3, v4  }
0x20: {  	v4 =	vperm.xlane v3, v0;
	_ =	sdelay $0x1  }
0x21: {  	v4 =	vadd.s32 v1, v4;
	_ =	sdelay $0x1  }
0x22: {  	v3 =	vperm.xlane v3, v2;
	_ =	sdelay $0x1  }
0x23: {  	v3 =	vadd.s32 v1, v3  }
0x24: {  	[tilespmem:s7], [sflag:$0x1] =	stream.indirect_vreg.gather [hbm4b:s1+s3], $0x80, v4, vm0, $0xb8;
	[tilespmem:$0x10080] =	vst v63  }
0x25: {  	s0 =	rddreg [dreg:$0x6]  }
0x26: {  	[tilespmem:s0], [sflag:$0x1] =	stream.indirect_vreg.gather [hbm4b:s4+s3], $0x80, v4, vm0, $0xb8;
	[tilespmem:$0x10080] =	vst v63  }
0x27: {  	s8 =	rddreg [dreg:$0x7]  }
0x28: {  	[tilespmem:s8], [sflag:$0x1] =	stream.indirect_vreg.gather [hbm4b:s1+s3], $0x80, v3, vm0, $0xb8;
	[tilespmem:$0x10080] =	vst v63  }
0x29: {  	s0 =	rddreg [dreg:$0x8]  }
0x2a: {  	[tilespmem:s0], [sflag:$0x1] =	stream.indirect_vreg.gather [hbm4b:s4+s3], $0x80, v3, vm0, $0xb8;
	[tilespmem:$0x10080] =	vst v63  }
0x2b: {  	v3 =	vld [tilespmem:$0x10];
	_ =	sdelay $0x4  }
0x2c: {  	v57 =	vshll.u32 v3, $0x2  }
0x2d: {  	v3 =	vand.u32 $0x7, v3;
	v4 =	vand.u32 $0xFFFFFFE0, v57  }
0x2e: {  	v3 =	vor.u32 v3, v4  }
0x2f: {  	v4 =	vperm.xlane v3, v0;
	_ =	sdelay $0x1  }
0x30: {  	v4 =	vadd.s32 v1, v4;
	_ =	sdelay $0x1  }
0x31: {  	v3 =	vperm.xlane v3, v2;
	_ =	sdelay $0x1  }
0x32: {  	s0 =	rddreg [dreg:$0x9];
	v3 =	vadd.s32 v1, v3  }
0x33: {  	[tilespmem:s0], [sflag:$0x1] =	stream.indirect_vreg.gather [hbm4b:s1+s3], $0x80, v4, vm0, $0xb8;
	[tilespmem:$0x10080] =	vst v63  }
0x34: {  	s8 =	rddreg [dreg:$0xa]  }
0x35: {  	[tilespmem:s8], [sflag:$0x1] =	stream.indirect_vreg.gather [hbm4b:s4+s3], $0x80, v4, vm0, $0xb8;
	[tilespmem:$0x10080] =	vst v63  }
0x36: {  	s0 =	rddreg [dreg:$0xb]  }
0x37: {  	[tilespmem:s0], [sflag:$0x1] =	stream.indirect_vreg.gather [hbm4b:s1+s3], $0x80, v3, vm0, $0xb8;
	[tilespmem:$0x10080] =	vst v63  }
0x38: {  	s8 =	rddreg [dreg:$0xc]  }
0x39: {  	[tilespmem:s8], [sflag:$0x1] =	stream.indirect_vreg.gather [hbm4b:s4+s3], $0x80, v3, vm0, $0xb8;
	[tilespmem:$0x10080] =	vst v63  }
0x3a: {  	v3 =	vld [tilespmem:$0x20];
	_ =	sdelay $0x4  }
0x3b: {  	v58 =	vshll.u32 v3, $0x2  }
0x3c: {  	v3 =	vand.u32 $0x7, v3;
	v4 =	vand.u32 $0xFFFFFFE0, v58  }
0x3d: {  	v3 =	vor.u32 v3, v4  }
0x3e: {  	v4 =	vperm.xlane v3, v0;
	_ =	sdelay $0x1  }
0x3f: {  	v4 =	vadd.s32 v1, v4;
	_ =	sdelay $0x1  }
0x40: {  	v3 =	vperm.xlane v3, v2;
	_ =	sdelay $0x1  }
0x41: {  	s8 =	rddreg [dreg:$0xd];
	v3 =	vadd.s32 v1, v3  }
0x42: {  	[tilespmem:s8], [sflag:$0x1] =	stream.indirect_vreg.gather [hbm4b:s1+s3], $0x80, v4, vm0, $0xb8;
	[tilespmem:$0x10080] =	vst v63  }
0x43: {  	s8 =	simm.s32 $0x4880  }
0x44: {  	[tilespmem:s8], [sflag:$0x1] =	stream.indirect_vreg.gather [hbm4b:s4+s3], $0x80, v4, vm0, $0xb8;
	[tilespmem:$0x10080] =	vst v63  }
0x45: {  	_ = 	snop  }
0x46: {  	[tilespmem:s9], [sflag:$0x1] =	stream.indirect_vreg.gather [hbm4b:s1+s3], $0x80, v3, vm0, $0xb8;
	[tilespmem:$0x10080] =	vst v63  }
0x47: {  	_ = 	snop  }
0x48: {  	[tilespmem:s10], [sflag:$0x1] =	stream.indirect_vreg.gather [hbm4b:s4+s3], $0x80, v3, vm0, $0xb8;
	[tilespmem:$0x10080] =	vst v63  }
0x49: {  	v3 =	vld [tilespmem:$0x30];
	_ =	sdelay $0x4  }
0x4a: {  	v59 =	vshll.u32 v3, $0x2  }
0x4b: {  	v3 =	vand.u32 $0x7, v3;
	v4 =	vand.u32 $0xFFFFFFE0, v59  }
0x4c: {  	v3 =	vor.u32 v3, v4  }
0x4d: {  	v4 =	vperm.xlane v3, v0;
	_ =	sdelay $0x1  }
0x4e: {  	v4 =	vadd.s32 v1, v4;
	_ =	sdelay $0x1  }
0x4f: {  	v3 =	vperm.xlane v3, v2;
	_ =	sdelay $0x1  }
0x50: {  	v3 =	vadd.s32 v1, v3  }
0x51: {  	[tilespmem:s11], [sflag:$0x1] =	stream.indirect_vreg.gather [hbm4b:s1+s3], $0x80, v4, vm0, $0xb8;
	[tilespmem:$0x10080] =	vst v63  }
0x52: {  	_ = 	snop  }
0x53: {  	[tilespmem:s12], [sflag:$0x1] =	stream.indirect_vreg.gather [hbm4b:s4+s3], $0x80, v4, vm0, $0xb8;
	[tilespmem:$0x10080] =	vst v63  }
0x54: {  	_ = 	snop  }
0x55: {  	[tilespmem:s13], [sflag:$0x1] =	stream.indirect_vreg.gather [hbm4b:s1+s3], $0x80, v3, vm0, $0xb8;
	[tilespmem:$0x10080] =	vst v63  }
0x56: {  	_ = 	snop  }
0x57: {  	[tilespmem:s14], [sflag:$0x1] =	stream.indirect_vreg.gather [hbm4b:s4+s3], $0x80, v3, vm0, $0xb8;
	[tilespmem:$0x10080] =	vst v63  }
0x58: {  	v3 =	vld [tilespmem:$0x40];
	_ =	sdelay $0x4  }
0x59: {  	v60 =	vshll.u32 v3, $0x2  }
0x5a: {  	v3 =	vand.u32 $0x7, v3;
	v4 =	vand.u32 $0xFFFFFFE0, v60  }
0x5b: {  	v3 =	vor.u32 v3, v4  }
0x5c: {  	v4 =	vperm.xlane v3, v0;
	_ =	sdelay $0x1  }
0x5d: {  	v4 =	vadd.s32 v1, v4;
	_ =	sdelay $0x1  }
0x5e: {  	v3 =	vperm.xlane v3, v2;
	_ =	sdelay $0x1  }
0x5f: {  	v3 =	vadd.s32 v1, v3  }
0x60: {  	[tilespmem:s15], [sflag:$0x1] =	stream.indirect_vreg.gather [hbm4b:s1+s3], $0x80, v4, vm0, $0xb8;
	[tilespmem:$0x10080] =	vst v63  }
0x61: {  	_ = 	snop  }
0x62: {  	[tilespmem:s16], [sflag:$0x1] =	stream.indirect_vreg.gather [hbm4b:s4+s3], $0x80, v4, vm0, $0xb8;
	[tilespmem:$0x10080] =	vst v63  }
0x63: {  	_ = 	snop  }
0x64: {  	[tilespmem:s17], [sflag:$0x1] =	stream.indirect_vreg.gather [hbm4b:s1+s3], $0x80, v3, vm0, $0xb8;
	[tilespmem:$0x10080] =	vst v63  }
0x65: {  	_ = 	snop  }
0x66: {  	[tilespmem:s18], [sflag:$0x1] =	stream.indirect_vreg.gather [hbm4b:s4+s3], $0x80, v3, vm0, $0xb8;
	[tilespmem:$0x10080] =	vst v63  }
0x67: {  	v3 =	vld [tilespmem:$0x50];
	_ =	sdelay $0x4  }
0x68: {  	v61 =	vshll.u32 v3, $0x2  }
0x69: {  	v3 =	vand.u32 $0x7, v3;
	v4 =	vand.u32 $0xFFFFFFE0, v61  }
0x6a: {  	v3 =	vor.u32 v3, v4  }
0x6b: {  	v4 =	vperm.xlane v3, v0;
	_ =	sdelay $0x1  }
0x6c: {  	v4 =	vadd.s32 v1, v4;
	_ =	sdelay $0x1  }
0x6d: {  	v3 =	vperm.xlane v3, v2;
	_ =	sdelay $0x1  }
0x6e: {  	v3 =	vadd.s32 v1, v3  }
0x6f: {  	[tilespmem:s19], [sflag:$0x1] =	stream.indirect_vreg.gather [hbm4b:s1+s3], $0x80, v4, vm0, $0xb8;
	[tilespmem:$0x10080] =	vst v63  }
0x70: {  	_ = 	snop  }
0x71: {  	[tilespmem:s20], [sflag:$0x1] =	stream.indirect_vreg.gather [hbm4b:s4+s3], $0x80, v4, vm0, $0xb8;
	[tilespmem:$0x10080] =	vst v63  }
0x72: {  	_ = 	snop  }
0x73: {  	[tilespmem:s21], [sflag:$0x1] =	stream.indirect_vreg.gather [hbm4b:s1+s3], $0x80, v3, vm0, $0xb8;
	[tilespmem:$0x10080] =	vst v63  }
0x74: {  	_ = 	snop  }
0x75: {  	[tilespmem:s22], [sflag:$0x1] =	stream.indirect_vreg.gather [hbm4b:s4+s3], $0x80, v3, vm0, $0xb8;
	[tilespmem:$0x10080] =	vst v63  }
0x76: {  	v3 =	vld [tilespmem:$0x60];
	_ =	sdelay $0x4  }
0x77: {  	v62 =	vshll.u32 v3, $0x2  }
0x78: {  	v3 =	vand.u32 $0x7, v3;
	v4 =	vand.u32 $0xFFFFFFE0, v62  }
0x79: {  	v3 =	vor.u32 v3, v4  }
0x7a: {  	v4 =	vperm.xlane v3, v0;
	_ =	sdelay $0x1  }
0x7b: {  	v4 =	vadd.s32 v1, v4;
	_ =	sdelay $0x1  }
0x7c: {  	v3 =	vperm.xlane v3, v2;
	_ =	sdelay $0x1  }
0x7d: {  	v3 =	vadd.s32 v1, v3  }
0x7e: {  	[tilespmem:s23], [sflag:$0x1] =	stream.indirect_vreg.gather [hbm4b:s1+s3], $0x80, v4, vm0, $0xb8;
	[tilespmem:$0x10080] =	vst v63  }
0x7f: {  	_ = 	snop  }
0x80: {  	[tilespmem:s24], [sflag:$0x1] =	stream.indirect_vreg.gather [hbm4b:s4+s3], $0x80, v4, vm0, $0xb8;
	[tilespmem:$0x10080] =	vst v63  }
0x81: {  	_ = 	snop  }
0x82: {  	[tilespmem:s25], [sflag:$0x1] =	stream.indirect_vreg.gather [hbm4b:s1+s3], $0x80, v3, vm0, $0xb8;
	[tilespmem:$0x10080] =	vst v63  }
0x83: {  	_ = 	snop  }
0x84: {  	[tilespmem:s26], [sflag:$0x1] =	stream.indirect_vreg.gather [hbm4b:s4+s3], $0x80, v3, vm0, $0xb8;
	[tilespmem:$0x10080] =	vst v63  }
0x85: {  	v3 =	vld [tilespmem:$0x70];
	_ =	sdelay $0x4  }
0x86: {  	v63 =	vshll.u32 v3, $0x2  }
0x87: {  	v3 =	vand.u32 $0x7, v3;
	v4 =	vand.u32 $0xFFFFFFE0, v63  }
0x88: {  	v3 =	vor.u32 v3, v4  }
0x89: {  	v4 =	vperm.xlane v3, v0;
	_ =	sdelay $0x1  }
0x8a: {  	v4 =	vadd.s32 v1, v4;
	_ =	sdelay $0x1  }
0x8b: {  	v3 =	vperm.xlane v3, v2;
	_ =	sdelay $0x1  }
0x8c: {  	v3 =	vadd.s32 v1, v3  }
0x8d: {  	[tilespmem:s28], [sflag:$0x1] =	stream.indirect_vreg.gather [hbm4b:s1+s3], $0x80, v4, vm0, $0xb8;
	[tilespmem:$0x10080] =	vst v63  }
0x8e: {  	_ = 	snop  }
0x8f: {  	[tilespmem:s29], [sflag:$0x1] =	stream.indirect_vreg.gather [hbm4b:s4+s3], $0x80, v4, vm0, $0xb8;
	[tilespmem:$0x10080] =	vst v63  }
0x90: {  	_ = 	snop  }
0x91: {  	[tilespmem:s30], [sflag:$0x1] =	stream.indirect_vreg.gather [hbm4b:s1+s3], $0x80, v3, vm0, $0xb8;
	[tilespmem:$0x10080] =	vst v63  }
0x92: {  	_ = 	snop  }
0x93: {  	[tilespmem:s31], [sflag:$0x1] =	stream.indirect_vreg.gather [hbm4b:s4+s3], $0x80, v3, vm0, $0xb8;
	[tilespmem:$0x10080] =	vst v63  }
0x94: {  	_ =	swait.ge [sflag:s2], $0x10000  }
0x95: {  	p0 =	sne.s32 s5, $0x1;
	[sflag:s2] =	ssyncset.done $0x0  }
.Ltmp0:
0x96: {  	s8 =	rddreg [dreg:$0x5];
	[sflag:s2] =	ssyncadd.s32 $0xFFFF0000;
	(pc) =	sbr.rel @p0 .LBB2_1-.Ltmp0, $4  }
0x97: {  	[hbm4b:s8+s3] =	stream.linear.scatter [tilespmem:s7], [sflag:$0x2], $0x10000, $0x38;
	[tilespmem:$0x10080] =	vst v63  }
0x98: {  	_ =	swait.ge [sflag:s6], $0x10000  }
0x99: {  	[sflag:s6] =	ssyncset.done $0x0  }
0x9a: {  	s5 =	sadd.s32 $0xFFFFFFFF, s5;
	[sflag:s6] =	ssyncadd.s32 $0xFFFF0000  }
0x9b: {  	_ =	sfence.sel $0x180000  }
0x9c: {  	[bflag:$0x0] =	sbarrier.arrive $0xFFFF  }
0x9d: {  	_ =	strace $0x90000047  }
0x9e: {  	s0 =	stileid.u32;
	[bflag:$0x2] =	sbarrier.arrive $0xFFFF  }
0x9f: {  	p0 =	sne.s32 s0, $0x0;
	s0 =	rddreg [dreg:$0x3]  }
0xa0: {  	s0 =	sadd.s32 @!p0 $0x100000, s0  }
0xa1: {  	[sflag:s0] =	ssyncadd.tile.s32 @!p0 $0x1;
	_ =	shalt  }
.Lfunc_end2:
_tile_overlayer_lowered:
.L_overlay_start_2:
0xa2: {  	(tag) =	ssettag $0x2  }
0xa3: {  	s0 =	rddreg [dreg:$0x0];
	s2 =	stileid.u32  }
0xa4: {  	s1 =	rddreg [dreg:$0x1];
	p0 =	sne.s32 s2, $0x0  }
0xa5: {  	s3 =	rddreg [dreg:$0x2];
	[bflag:$0x3] =	sbarrier.arrive $0xFFFF;
	s2 =	simm.s32 @!p0 $0x1C02  }
0xa6: {  	[timem:s3], [sflag:s2] =	dma.local @!p0 [hbm:s0], s1  }
0xa7: {  	s0 =	simm.s32 @!p0 $0x2  }
0xa8: {  	_ =	swait.ge @!p0 [sflag:s0], s1  }
0xa9: {  	s1 =	ssub.s32 @!p0 $0x0, s1;
	[sflag:s0] =	ssyncset.done @!p0 $0x0  }
0xaa: {  	[sflag:s0] =	ssyncadd.s32 @!p0 s1  }
0xab: {  	[bflag:$0x3] =	sbarrier.arrive $0xFFFF  }
0xac: {  	_ =	shalt  }

</sc_bundles>
